<compile_context>
chip_gen: v7x
topology: tpu7x:2x2x1
jax: 0.10.2.dev20260603
libtpu: 0.0.44.dev20260713+nightly
codegen_flags: <defaults>
</compile_context>

<pallas_src>
import jax
import jax.numpy as jnp
from jax import lax
from jax.experimental import pallas as pl
from jax.experimental.pallas import tpu as pltpu
from jax.experimental.pallas import tpu_sc as plsc


_NC, _NS, _L = 2, 16, 16
_NW = _NC * _NS
_B = 4
_S = 2048
_D = 1024
_SC_B = 1
_SPW = _S // _NW
_CH = 16
_NSC = _SPW // _CH
_NITEM = _NSC * _SC_B
_RING = 3
_VPR = _D // _L


def _sc_body(x_hbm, p_hbm, o_hbm, bufp, bufs, semx, semo, semp):
    cid = lax.axis_index("c")
    sid = lax.axis_index("s")
    wid = sid * _NC + cid
    s0 = wid * _SPW

    cpp = pltpu.async_copy(p_hbm.at[pl.ds(s0, _SPW)], bufp, semp)

    def start_in(i):
        sc, b = divmod(i, _SC_B)
        return pltpu.async_copy(
            x_hbm.at[_B - _SC_B + b, pl.ds(s0 + sc * _CH, _CH)],
            bufs[i % _RING],
            semx[i % _RING],
        )

    cps = [None] * _NITEM
    cpo = [None] * _NITEM
    for i in range(min(_RING - 1, _NITEM)):
        cps[i] = start_in(i)
    cpp.wait()

    for i in range(_NITEM):
        sc, b = divmod(i, _SC_B)
        buf = bufs[i % _RING]
        cps[i].wait()

        @pl.loop(0, _CH)
        def _(r):
            pr = sc * _CH + r

            @plsc.parallel_loop(0, _VPR, unroll=8)
            def _(j):
                plsc.addupdate(
                    buf.at[r, pl.ds(j * _L, _L)],
                    bufp[pr, pl.ds(j * _L, _L)],
                )

        cpo[i] = pltpu.async_copy(
            buf, o_hbm.at[b, pl.ds(s0 + sc * _CH, _CH)], semo[i % _RING]
        )
        nxt = i + _RING - 1
        if nxt < _NITEM:
            if i >= 1:
                cpo[i - 1].wait()
            cps[nxt] = start_in(nxt)

    for i in range(max(0, _NITEM - _RING + 1), _NITEM):
        cpo[i].wait()


def _sc_call(inputs, pos_table):
    return pl.kernel(
        _sc_body,
        out_type=jax.ShapeDtypeStruct((_SC_B, _S, _D), inputs.dtype),
        mesh=plsc.VectorSubcoreMesh(core_axis_name="c", subcore_axis_name="s"),
        scratch_types=[
            pltpu.VMEM((_SPW, _D), jnp.float32),
            [pltpu.VMEM((_CH, _D), jnp.float32) for _ in range(_RING)],
            [pltpu.SemaphoreType.DMA for _ in range(_RING)],
            [pltpu.SemaphoreType.DMA for _ in range(_RING)],
            pltpu.SemaphoreType.DMA,
        ],
    )(inputs, pos_table)


def _tc_add_body(x_ref, p_ref, o_ref):
    o_ref[...] = x_ref[...] + p_ref[...]


def _tc_call(inputs, pos_table):
    batch, seq_len, d_model = inputs.shape
    tc_b = batch - _SC_B
    return pl.pallas_call(
        _tc_add_body,
        grid=(1, tc_b),
        in_specs=[
            pl.BlockSpec((1, seq_len, d_model), lambda i, j: (j, i, 0)),
            pl.BlockSpec((seq_len, d_model), lambda i, j: (i, 0)),
        ],
        out_specs=pl.BlockSpec((1, seq_len, d_model), lambda i, j: (j, i, 0)),
        out_shape=jax.ShapeDtypeStruct((tc_b, seq_len, d_model), inputs.dtype),
        compiler_params=pltpu.CompilerParams(
            dimension_semantics=("parallel", "parallel"),
        ),
    )(inputs, pos_table)


def kernel(inputs, pos_table):
    sc_out = _sc_call(inputs, pos_table)
    tc_out = _tc_call(inputs, pos_table)
    return jnp.concatenate([tc_out, sc_out], axis=0)

# --- scband reference (transcript-rebuilt; emitter-appended) ---
"""Pipeline reference for scband-positional-encoding-59511066853511 (READ-ONLY COPY).

The authoritative reference and input builder live on the scoring server;
editing this copy changes nothing except your own understanding.
"""

import jax, jax.numpy as jnp
import numpy as np

MAX_LENGTH = 2048
D_MODEL = 1024
BATCH = 4
SEQ_LEN = 2048


def setup_inputs(seed: int = 0) -> dict:
    key = jax.random.key(seed)
    k1, k2 = jax.random.split(key)
    inputs = jax.random.normal(k1, (BATCH, SEQ_LEN, D_MODEL), dtype=jnp.float32)
    # Keras Embedding with 'uniform' initializer: U(-0.05, 0.05)
    pos_table = jax.random.uniform(k2, (MAX_LENGTH, D_MODEL), dtype=jnp.float32, minval=-0.05, maxval=0.05)
    return {"inputs": inputs, "pos_table": pos_table}


def reference(inputs, pos_table):
    # LearnedPositionalEncoding.call (training=False, dropout is identity):
    #   positions = tile(arange(seq_len)[None, :], [batch, 1])
    #   pos_embeddings = pos_embedding(positions)  # gather from table
    #   outputs = inputs + pos_embeddings
    batch_size = inputs.shape[0]
    seq_len = inputs.shape[1]
    positions = jnp.arange(seq_len, dtype=jnp.int32)
    positions = jnp.tile(positions[None, :], (batch_size, 1))  # [B, S]
    pos_embeddings = jnp.take(pos_table, positions, axis=0)    # [B, S, D]
    outputs = inputs + pos_embeddings
    return outputs

if __name__ == "__main__":
    import jax
    _d = setup_inputs()
    print(jax.jit(kernel)(*tuple(_d.values())))

</pallas_src>

<mosaic_0001>
#map = affine_map<(d0, d1) -> (0, 0, 0)>
#map1 = affine_map<(d0, d1) -> (0, 0)>
module attributes {stable_mosaic.version = 14 : i64} {
  func.func @_sc_body(%arg0: i32, %arg1: i32, %arg2: memref<4x2048x1024xf32, #tpu.memory_space<hbm>>, %arg3: memref<2048x1024xf32, #tpu.memory_space<hbm>>, %arg4: memref<1x2048x1024xf32, #tpu.memory_space<hbm>>, %arg5: memref<64x1024xf32, #tpu.memory_space<vmem>>, %arg6: memref<16x1024xf32, #tpu.memory_space<vmem>>, %arg7: memref<16x1024xf32, #tpu.memory_space<vmem>>, %arg8: memref<16x1024xf32, #tpu.memory_space<vmem>>, %arg9: memref<!tpu.dma_semaphore, #tpu.memory_space<semaphore_mem>>, %arg10: memref<!tpu.dma_semaphore, #tpu.memory_space<semaphore_mem>>, %arg11: memref<!tpu.dma_semaphore, #tpu.memory_space<semaphore_mem>>, %arg12: memref<!tpu.dma_semaphore, #tpu.memory_space<semaphore_mem>>, %arg13: memref<!tpu.dma_semaphore, #tpu.memory_space<semaphore_mem>>, %arg14: memref<!tpu.dma_semaphore, #tpu.memory_space<semaphore_mem>>, %arg15: memref<!tpu.dma_semaphore, #tpu.memory_space<semaphore_mem>>) attributes {dimension_semantics = [#tpu.dimension_semantics<core_parallel>, #tpu.dimension_semantics<subcore_parallel>], iteration_bounds = array<i64: 2, 16>, scalar_prefetch = 0 : i64, scratch_operands = 11 : i64, tpu.core_type = #tpu.core_type<sc_vector_subcore>, window_params = [{transform_indices = #map}, {transform_indices = #map1}, {transform_indices = #map}]} {
    %mul3A = arith.constant 2 : i32
    %mul3A_0 = arith.muli %arg1, %mul3A : i32
    %add3A = arith.addi %mul3A_0, %arg0 : i32
    %mul3A_1 = arith.constant 64 : i32
    %mul3A_2 = arith.muli %add3A, %mul3A_1 : i32
    %dma_start3A = arith.constant 0 : i32
    %dma_start3A_3 = tpu.memref_slice %arg3[%mul3A_2, %dma_start3A] : memref<2048x1024xf32, #tpu.memory_space<hbm>> -> memref<64x1024xf32, #tpu.memory_space<hbm>>
    %dma_start3A_4 = arith.constant 0 : i32
    %dma_start3A_5 = tpu.memref_slice %arg3[%mul3A_2, %dma_start3A_4] : memref<2048x1024xf32, #tpu.memory_space<hbm>> -> memref<64x1024xf32, #tpu.memory_space<hbm>>
    tpu.enqueue_dma source(%dma_start3A_5 : memref<64x1024xf32, #tpu.memory_space<hbm>>) target(%arg5 : memref<64x1024xf32, #tpu.memory_space<vmem>>) target_semaphore(%arg15 : memref<!tpu.dma_semaphore, #tpu.memory_space<semaphore_mem>>)
    %add3A_6 = arith.constant 0 : i32
    %add3A_7 = arith.addi %mul3A_2, %add3A_6 : i32
    %dma_start3A_8 = arith.constant 3 : i32
    %dma_start3A_9 = arith.constant 0 : i32
    %dma_start3A_10 = tpu.memref_slice %arg2[%dma_start3A_8, %add3A_7, %dma_start3A_9] : memref<4x2048x1024xf32, #tpu.memory_space<hbm>> -> memref<1x16x1024xf32, #tpu.memory_space<hbm>>
    %dma_start3A_11 = tpu.memref_squeeze %dma_start3A_10 : memref<1x16x1024xf32, #tpu.memory_space<hbm>> -> memref<16x1024xf32, #tpu.memory_space<hbm>>
    %dma_start3A_12 = arith.constant 0 : i32
    %dma_start3A_13 = tpu.memref_slice %arg2[%dma_start3A_8, %add3A_7, %dma_start3A_12] : memref<4x2048x1024xf32, #tpu.memory_space<hbm>> -> memref<1x16x1024xf32, #tpu.memory_space<hbm>>
    %dma_start3A_14 = tpu.memref_squeeze %dma_start3A_13 : memref<1x16x1024xf32, #tpu.memory_space<hbm>> -> memref<16x1024xf32, #tpu.memory_space<hbm>>
    tpu.enqueue_dma source(%dma_start3A_14 : memref<16x1024xf32, #tpu.memory_space<hbm>>) target(%arg6 : memref<16x1024xf32, #tpu.memory_space<vmem>>) target_semaphore(%arg9 : memref<!tpu.dma_semaphore, #tpu.memory_space<semaphore_mem>>)
    %add3A_15 = arith.constant 16 : i32
    %add3A_16 = arith.addi %mul3A_2, %add3A_15 : i32
    %dma_start3A_17 = arith.constant 3 : i32
    %dma_start3A_18 = arith.constant 0 : i32
    %dma_start3A_19 = tpu.memref_slice %arg2[%dma_start3A_17, %add3A_16, %dma_start3A_18] : memref<4x2048x1024xf32, #tpu.memory_space<hbm>> -> memref<1x16x1024xf32, #tpu.memory_space<hbm>>
    %dma_start3A_20 = tpu.memref_squeeze %dma_start3A_19 : memref<1x16x1024xf32, #tpu.memory_space<hbm>> -> memref<16x1024xf32, #tpu.memory_space<hbm>>
    %dma_start3A_21 = arith.constant 0 : i32
    %dma_start3A_22 = tpu.memref_slice %arg2[%dma_start3A_17, %add3A_16, %dma_start3A_21] : memref<4x2048x1024xf32, #tpu.memory_space<hbm>> -> memref<1x16x1024xf32, #tpu.memory_space<hbm>>
    %dma_start3A_23 = tpu.memref_squeeze %dma_start3A_22 : memref<1x16x1024xf32, #tpu.memory_space<hbm>> -> memref<16x1024xf32, #tpu.memory_space<hbm>>
    tpu.enqueue_dma source(%dma_start3A_23 : memref<16x1024xf32, #tpu.memory_space<hbm>>) target(%arg7 : memref<16x1024xf32, #tpu.memory_space<vmem>>) target_semaphore(%arg10 : memref<!tpu.dma_semaphore, #tpu.memory_space<semaphore_mem>>)
    %dma_wait3A = arith.constant 0 : i32
    %dma_wait3A_24 = tpu.memref_slice %arg3[%mul3A_2, %dma_wait3A] : memref<2048x1024xf32, #tpu.memory_space<hbm>> -> memref<64x1024xf32, #tpu.memory_space<hbm>>
    %dma_wait3A_25 = arith.constant 0 : i32
    %dma_wait3A_26 = tpu.memref_slice %arg3[%mul3A_2, %dma_wait3A_25] : memref<2048x1024xf32, #tpu.memory_space<hbm>> -> memref<64x1024xf32, #tpu.memory_space<hbm>>
    tpu.wait_dma2 semaphore(%arg15 : memref<!tpu.dma_semaphore, #tpu.memory_space<semaphore_mem>>) src(%dma_wait3A_26 : memref<64x1024xf32, #tpu.memory_space<hbm>>) dst(%arg5 : memref<64x1024xf32, #tpu.memory_space<vmem>>)
    %dma_wait3A_27 = arith.constant 3 : i32
    %dma_wait3A_28 = arith.constant 0 : i32
    %dma_wait3A_29 = tpu.memref_slice %arg2[%dma_wait3A_27, %add3A_7, %dma_wait3A_28] : memref<4x2048x1024xf32, #tpu.memory_space<hbm>> -> memref<1x16x1024xf32, #tpu.memory_space<hbm>>
    %dma_wait3A_30 = tpu.memref_squeeze %dma_wait3A_29 : memref<1x16x1024xf32, #tpu.memory_space<hbm>> -> memref<16x1024xf32, #tpu.memory_space<hbm>>
    %dma_wait3A_31 = arith.constant 0 : i32
    %dma_wait3A_32 = tpu.memref_slice %arg2[%dma_wait3A_27, %add3A_7, %dma_wait3A_31] : memref<4x2048x1024xf32, #tpu.memory_space<hbm>> -> memref<1x16x1024xf32, #tpu.memory_space<hbm>>
    %dma_wait3A_33 = tpu.memref_squeeze %dma_wait3A_32 : memref<1x16x1024xf32, #tpu.memory_space<hbm>> -> memref<16x1024xf32, #tpu.memory_space<hbm>>
    tpu.wait_dma2 semaphore(%arg9 : memref<!tpu.dma_semaphore, #tpu.memory_space<semaphore_mem>>) src(%dma_wait3A_33 : memref<16x1024xf32, #tpu.memory_space<hbm>>) dst(%arg6 : memref<16x1024xf32, #tpu.memory_space<vmem>>)
    %scan3A = arith.constant 0 : i32
    %scan3A_34 = arith.constant 16 : i32
    %scan3A_35 = arith.addi %scan3A, %scan3A_34 : i32
    %scan3A_36 = arith.constant 1 : i32
    scf.for %scan3A_149 = %scan3A to %scan3A_35 step %scan3A_36  : i32 {
      %mul3A_150 = arith.constant 1 : i32
      %mul3A_151 = arith.muli %scan3A_149, %mul3A_150 : i32
      %add3A_152 = arith.constant 0 : i32
      %add3A_153 = arith.addi %add3A_152, %mul3A_151 : i32
      %add3A_154 = arith.constant 0 : i32
      %add3A_155 = arith.addi %add3A_154, %add3A_153 : i32
      %parallel_loop3A = arith.constant 0 : i32
      %parallel_loop3A_156 = arith.constant 64 : i32
      %parallel_loop3A_157 = arith.constant 1 : i32
      scf.for %parallel_loop3A_158 = %parallel_loop3A to %parallel_loop3A_156 step %parallel_loop3A_157  : i32 {
        %parallel_loop3A_159 = arith.constant 16 : i32
        %parallel_loop3A_160 = arith.muli %parallel_loop3A_158, %parallel_loop3A_159 : i32
        %parallel_loop3A_161 = arith.constant 16 : i32
        %parallel_loop3A_162 = arith.muli %parallel_loop3A_158, %parallel_loop3A_161 : i32
        %parallel_loop3A_163 = arith.index_cast %add3A_155 : i32 to index
        %parallel_loop3A_164 = arith.index_cast %parallel_loop3A_162 : i32 to index
        %parallel_loop3A_165 = tpu.vector_load %arg5[%parallel_loop3A_163, %parallel_loop3A_164] {strides = array<i32>} : memref<64x1024xf32, #tpu.memory_space<vmem>>, vector<1x16xf32>,
        %parallel_loop3A_166 = vector.shape_cast %parallel_loop3A_165 : vector<1x16xf32> to vector<16xf32>
        %parallel_loop3A_167 = arith.index_cast %add3A_153 : i32 to index
        %parallel_loop3A_168 = arith.index_cast %parallel_loop3A_160 : i32 to index
        %parallel_loop3A_169 = tpu.vector_load %arg6[%parallel_loop3A_167, %parallel_loop3A_168] {strides = array<i32>} : memref<16x1024xf32, #tpu.memory_space<vmem>>, vector<1x16xf32>,
        %parallel_loop3A_170 = vector.shape_cast %parallel_loop3A_169 : vector<1x16xf32> to vector<16xf32>
        %parallel_loop3A_171 = vector.shape_cast %parallel_loop3A_166 : vector<16xf32> to vector<1x16xf32>
        tpu.vector_store %arg6[%parallel_loop3A_167, %parallel_loop3A_168], %parallel_loop3A_171 {add = true, strides = array<i32>} : memref<16x1024xf32, #tpu.memory_space<vmem>>, vector<1x16xf32>,
      } {sc.loop_unroll_factor = 8 : i64, sc.parallel_access}
    }
    %scan3A_37 = arith.constant 16 : i32
    %add3A_38 = arith.constant 0 : i32
    %add3A_39 = arith.addi %mul3A_2, %add3A_38 : i32
    %dma_start3A_40 = arith.constant 0 : i32
    %dma_start3A_41 = arith.constant 0 : i32
    %dma_start3A_42 = tpu.memref_slice %arg4[%dma_start3A_40, %add3A_39, %dma_start3A_41] : memref<1x2048x1024xf32, #tpu.memory_space<hbm>> -> memref<1x16x1024xf32, #tpu.memory_space<hbm>>
    %dma_start3A_43 = tpu.memref_squeeze %dma_start3A_42 : memref<1x16x1024xf32, #tpu.memory_space<hbm>> -> memref<16x1024xf32, #tpu.memory_space<hbm>>
    %dma_start3A_44 = arith.constant 0 : i32
    %dma_start3A_45 = tpu.memref_slice %arg4[%dma_start3A_40, %add3A_39, %dma_start3A_44] : memref<1x2048x1024xf32, #tpu.memory_space<hbm>> -> memref<1x16x1024xf32, #tpu.memory_space<hbm>>
    %dma_start3A_46 = tpu.memref_squeeze %dma_start3A_45 : memref<1x16x1024xf32, #tpu.memory_space<hbm>> -> memref<16x1024xf32, #tpu.memory_space<hbm>>
    tpu.enqueue_dma source(%arg6 : memref<16x1024xf32, #tpu.memory_space<vmem>>) target(%dma_start3A_46 : memref<16x1024xf32, #tpu.memory_space<hbm>>) target_semaphore(%arg12 : memref<!tpu.dma_semaphore, #tpu.memory_space<semaphore_mem>>)
    %add3A_47 = arith.constant 32 : i32
    %add3A_48 = arith.addi %mul3A_2, %add3A_47 : i32
    %dma_start3A_49 = arith.constant 3 : i32
    %dma_start3A_50 = arith.constant 0 : i32
    %dma_start3A_51 = tpu.memref_slice %arg2[%dma_start3A_49, %add3A_48, %dma_start3A_50] : memref<4x2048x1024xf32, #tpu.memory_space<hbm>> -> memref<1x16x1024xf32, #tpu.memory_space<hbm>>
    %dma_start3A_52 = tpu.memref_squeeze %dma_start3A_51 : memref<1x16x1024xf32, #tpu.memory_space<hbm>> -> memref<16x1024xf32, #tpu.memory_space<hbm>>
    %dma_start3A_53 = arith.constant 0 : i32
    %dma_start3A_54 = tpu.memref_slice %arg2[%dma_start3A_49, %add3A_48, %dma_start3A_53] : memref<4x2048x1024xf32, #tpu.memory_space<hbm>> -> memref<1x16x1024xf32, #tpu.memory_space<hbm>>
    %dma_start3A_55 = tpu.memref_squeeze %dma_start3A_54 : memref<1x16x1024xf32, #tpu.memory_space<hbm>> -> memref<16x1024xf32, #tpu.memory_space<hbm>>
    tpu.enqueue_dma source(%dma_start3A_55 : memref<16x1024xf32, #tpu.memory_space<hbm>>) target(%arg8 : memref<16x1024xf32, #tpu.memory_space<vmem>>) target_semaphore(%arg11 : memref<!tpu.dma_semaphore, #tpu.memory_space<semaphore_mem>>)
    %dma_wait3A_56 = arith.constant 3 : i32
    %dma_wait3A_57 = arith.constant 0 : i32
    %dma_wait3A_58 = tpu.memref_slice %arg2[%dma_wait3A_56, %add3A_16, %dma_wait3A_57] : memref<4x2048x1024xf32, #tpu.memory_space<hbm>> -> memref<1x16x1024xf32, #tpu.memory_space<hbm>>
    %dma_wait3A_59 = tpu.memref_squeeze %dma_wait3A_58 : memref<1x16x1024xf32, #tpu.memory_space<hbm>> -> memref<16x1024xf32, #tpu.memory_space<hbm>>
    %dma_wait3A_60 = arith.constant 0 : i32
    %dma_wait3A_61 = tpu.memref_slice %arg2[%dma_wait3A_56, %add3A_16, %dma_wait3A_60] : memref<4x2048x1024xf32, #tpu.memory_space<hbm>> -> memref<1x16x1024xf32, #tpu.memory_space<hbm>>
    %dma_wait3A_62 = tpu.memref_squeeze %dma_wait3A_61 : memref<1x16x1024xf32, #tpu.memory_space<hbm>> -> memref<16x1024xf32, #tpu.memory_space<hbm>>
    tpu.wait_dma2 semaphore(%arg10 : memref<!tpu.dma_semaphore, #tpu.memory_space<semaphore_mem>>) src(%dma_wait3A_62 : memref<16x1024xf32, #tpu.memory_space<hbm>>) dst(%arg7 : memref<16x1024xf32, #tpu.memory_space<vmem>>)
    %scan3A_63 = arith.constant 0 : i32
    %scan3A_64 = arith.constant 16 : i32
    %scan3A_65 = arith.addi %scan3A_63, %scan3A_64 : i32
    %scan3A_66 = arith.constant 1 : i32
    scf.for %scan3A_149 = %scan3A_63 to %scan3A_65 step %scan3A_66  : i32 {
      %mul3A_150 = arith.constant 1 : i32
      %mul3A_151 = arith.muli %scan3A_149, %mul3A_150 : i32
      %add3A_152 = arith.constant 0 : i32
      %add3A_153 = arith.addi %add3A_152, %mul3A_151 : i32
      %add3A_154 = arith.constant 16 : i32
      %add3A_155 = arith.addi %add3A_154, %add3A_153 : i32
      %parallel_loop3A = arith.constant 0 : i32
      %parallel_loop3A_156 = arith.constant 64 : i32
      %parallel_loop3A_157 = arith.constant 1 : i32
      scf.for %parallel_loop3A_158 = %parallel_loop3A to %parallel_loop3A_156 step %parallel_loop3A_157  : i32 {
        %parallel_loop3A_159 = arith.constant 16 : i32
        %parallel_loop3A_160 = arith.muli %parallel_loop3A_158, %parallel_loop3A_159 : i32
        %parallel_loop3A_161 = arith.constant 16 : i32
        %parallel_loop3A_162 = arith.muli %parallel_loop3A_158, %parallel_loop3A_161 : i32
        %parallel_loop3A_163 = arith.index_cast %add3A_155 : i32 to index
        %parallel_loop3A_164 = arith.index_cast %parallel_loop3A_162 : i32 to index
        %parallel_loop3A_165 = tpu.vector_load %arg5[%parallel_loop3A_163, %parallel_loop3A_164] {strides = array<i32>} : memref<64x1024xf32, #tpu.memory_space<vmem>>, vector<1x16xf32>,
        %parallel_loop3A_166 = vector.shape_cast %parallel_loop3A_165 : vector<1x16xf32> to vector<16xf32>
        %parallel_loop3A_167 = arith.index_cast %add3A_153 : i32 to index
        %parallel_loop3A_168 = arith.index_cast %parallel_loop3A_160 : i32 to index
        %parallel_loop3A_169 = tpu.vector_load %arg7[%parallel_loop3A_167, %parallel_loop3A_168] {strides = array<i32>} : memref<16x1024xf32, #tpu.memory_space<vmem>>, vector<1x16xf32>,
        %parallel_loop3A_170 = vector.shape_cast %parallel_loop3A_169 : vector<1x16xf32> to vector<16xf32>
        %parallel_loop3A_171 = vector.shape_cast %parallel_loop3A_166 : vector<16xf32> to vector<1x16xf32>
        tpu.vector_store %arg7[%parallel_loop3A_167, %parallel_loop3A_168], %parallel_loop3A_171 {add = true, strides = array<i32>} : memref<16x1024xf32, #tpu.memory_space<vmem>>, vector<1x16xf32>,
      } {sc.loop_unroll_factor = 8 : i64, sc.parallel_access}
    }
    %scan3A_67 = arith.constant 16 : i32
    %add3A_68 = arith.constant 16 : i32
    %add3A_69 = arith.addi %mul3A_2, %add3A_68 : i32
    %dma_start3A_70 = arith.constant 0 : i32
    %dma_start3A_71 = arith.constant 0 : i32
    %dma_start3A_72 = tpu.memref_slice %arg4[%dma_start3A_70, %add3A_69, %dma_start3A_71] : memref<1x2048x1024xf32, #tpu.memory_space<hbm>> -> memref<1x16x1024xf32, #tpu.memory_space<hbm>>
    %dma_start3A_73 = tpu.memref_squeeze %dma_start3A_72 : memref<1x16x1024xf32, #tpu.memory_space<hbm>> -> memref<16x1024xf32, #tpu.memory_space<hbm>>
    %dma_start3A_74 = arith.constant 0 : i32
    %dma_start3A_75 = tpu.memref_slice %arg4[%dma_start3A_70, %add3A_69, %dma_start3A_74] : memref<1x2048x1024xf32, #tpu.memory_space<hbm>> -> memref<1x16x1024xf32, #tpu.memory_space<hbm>>
    %dma_start3A_76 = tpu.memref_squeeze %dma_start3A_75 : memref<1x16x1024xf32, #tpu.memory_space<hbm>> -> memref<16x1024xf32, #tpu.memory_space<hbm>>
    tpu.enqueue_dma source(%arg7 : memref<16x1024xf32, #tpu.memory_space<vmem>>) target(%dma_start3A_76 : memref<16x1024xf32, #tpu.memory_space<hbm>>) target_semaphore(%arg13 : memref<!tpu.dma_semaphore, #tpu.memory_space<semaphore_mem>>)
    %dma_wait3A_77 = arith.constant 0 : i32
    %dma_wait3A_78 = arith.constant 0 : i32
    %dma_wait3A_79 = tpu.memref_slice %arg4[%dma_wait3A_77, %add3A_39, %dma_wait3A_78] : memref<1x2048x1024xf32, #tpu.memory_space<hbm>> -> memref<1x16x1024xf32, #tpu.memory_space<hbm>>
    %dma_wait3A_80 = tpu.memref_squeeze %dma_wait3A_79 : memref<1x16x1024xf32, #tpu.memory_space<hbm>> -> memref<16x1024xf32, #tpu.memory_space<hbm>>
    %dma_wait3A_81 = arith.constant 0 : i32
    %dma_wait3A_82 = tpu.memref_slice %arg4[%dma_wait3A_77, %add3A_39, %dma_wait3A_81] : memref<1x2048x1024xf32, #tpu.memory_space<hbm>> -> memref<1x16x1024xf32, #tpu.memory_space<hbm>>
    %dma_wait3A_83 = tpu.memref_squeeze %dma_wait3A_82 : memref<1x16x1024xf32, #tpu.memory_space<hbm>> -> memref<16x1024xf32, #tpu.memory_space<hbm>>
    tpu.wait_dma2 semaphore(%arg12 : memref<!tpu.dma_semaphore, #tpu.memory_space<semaphore_mem>>) src(%arg6 : memref<16x1024xf32, #tpu.memory_space<vmem>>) dst(%dma_wait3A_83 : memref<16x1024xf32, #tpu.memory_space<hbm>>)
    %add3A_84 = arith.constant 48 : i32
    %add3A_85 = arith.addi %mul3A_2, %add3A_84 : i32
    %dma_start3A_86 = arith.constant 3 : i32
    %dma_start3A_87 = arith.constant 0 : i32
    %dma_start3A_88 = tpu.memref_slice %arg2[%dma_start3A_86, %add3A_85, %dma_start3A_87] : memref<4x2048x1024xf32, #tpu.memory_space<hbm>> -> memref<1x16x1024xf32, #tpu.memory_space<hbm>>
    %dma_start3A_89 = tpu.memref_squeeze %dma_start3A_88 : memref<1x16x1024xf32, #tpu.memory_space<hbm>> -> memref<16x1024xf32, #tpu.memory_space<hbm>>
    %dma_start3A_90 = arith.constant 0 : i32
    %dma_start3A_91 = tpu.memref_slice %arg2[%dma_start3A_86, %add3A_85, %dma_start3A_90] : memref<4x2048x1024xf32, #tpu.memory_space<hbm>> -> memref<1x16x1024xf32, #tpu.memory_space<hbm>>
    %dma_start3A_92 = tpu.memref_squeeze %dma_start3A_91 : memref<1x16x1024xf32, #tpu.memory_space<hbm>> -> memref<16x1024xf32, #tpu.memory_space<hbm>>
    tpu.enqueue_dma source(%dma_start3A_92 : memref<16x1024xf32, #tpu.memory_space<hbm>>) target(%arg6 : memref<16x1024xf32, #tpu.memory_space<vmem>>) target_semaphore(%arg9 : memref<!tpu.dma_semaphore, #tpu.memory_space<semaphore_mem>>)
    %dma_wait3A_93 = arith.constant 3 : i32
    %dma_wait3A_94 = arith.constant 0 : i32
    %dma_wait3A_95 = tpu.memref_slice %arg2[%dma_wait3A_93, %add3A_48, %dma_wait3A_94] : memref<4x2048x1024xf32, #tpu.memory_space<hbm>> -> memref<1x16x1024xf32, #tpu.memory_space<hbm>>
    %dma_wait3A_96 = tpu.memref_squeeze %dma_wait3A_95 : memref<1x16x1024xf32, #tpu.memory_space<hbm>> -> memref<16x1024xf32, #tpu.memory_space<hbm>>
    %dma_wait3A_97 = arith.constant 0 : i32
    %dma_wait3A_98 = tpu.memref_slice %arg2[%dma_wait3A_93, %add3A_48, %dma_wait3A_97] : memref<4x2048x1024xf32, #tpu.memory_space<hbm>> -> memref<1x16x1024xf32, #tpu.memory_space<hbm>>
    %dma_wait3A_99 = tpu.memref_squeeze %dma_wait3A_98 : memref<1x16x1024xf32, #tpu.memory_space<hbm>> -> memref<16x1024xf32, #tpu.memory_space<hbm>>
    tpu.wait_dma2 semaphore(%arg11 : memref<!tpu.dma_semaphore, #tpu.memory_space<semaphore_mem>>) src(%dma_wait3A_99 : memref<16x1024xf32, #tpu.memory_space<hbm>>) dst(%arg8 : memref<16x1024xf32, #tpu.memory_space<vmem>>)
    %scan3A_100 = arith.constant 0 : i32
    %scan3A_101 = arith.constant 16 : i32
    %scan3A_102 = arith.addi %scan3A_100, %scan3A_101 : i32
    %scan3A_103 = arith.constant 1 : i32
    scf.for %scan3A_149 = %scan3A_100 to %scan3A_102 step %scan3A_103  : i32 {
      %mul3A_150 = arith.constant 1 : i32
      %mul3A_151 = arith.muli %scan3A_149, %mul3A_150 : i32
      %add3A_152 = arith.constant 0 : i32
      %add3A_153 = arith.addi %add3A_152, %mul3A_151 : i32
      %add3A_154 = arith.constant 32 : i32
      %add3A_155 = arith.addi %add3A_154, %add3A_153 : i32
      %parallel_loop3A = arith.constant 0 : i32
      %parallel_loop3A_156 = arith.constant 64 : i32
      %parallel_loop3A_157 = arith.constant 1 : i32
      scf.for %parallel_loop3A_158 = %parallel_loop3A to %parallel_loop3A_156 step %parallel_loop3A_157  : i32 {
        %parallel_loop3A_159 = arith.constant 16 : i32
        %parallel_loop3A_160 = arith.muli %parallel_loop3A_158, %parallel_loop3A_159 : i32
        %parallel_loop3A_161 = arith.constant 16 : i32
        %parallel_loop3A_162 = arith.muli %parallel_loop3A_158, %parallel_loop3A_161 : i32
        %parallel_loop3A_163 = arith.index_cast %add3A_155 : i32 to index
        %parallel_loop3A_164 = arith.index_cast %parallel_loop3A_162 : i32 to index
        %parallel_loop3A_165 = tpu.vector_load %arg5[%parallel_loop3A_163, %parallel_loop3A_164] {strides = array<i32>} : memref<64x1024xf32, #tpu.memory_space<vmem>>, vector<1x16xf32>,
        %parallel_loop3A_166 = vector.shape_cast %parallel_loop3A_165 : vector<1x16xf32> to vector<16xf32>
        %parallel_loop3A_167 = arith.index_cast %add3A_153 : i32 to index
        %parallel_loop3A_168 = arith.index_cast %parallel_loop3A_160 : i32 to index
        %parallel_loop3A_169 = tpu.vector_load %arg8[%parallel_loop3A_167, %parallel_loop3A_168] {strides = array<i32>} : memref<16x1024xf32, #tpu.memory_space<vmem>>, vector<1x16xf32>,
        %parallel_loop3A_170 = vector.shape_cast %parallel_loop3A_169 : vector<1x16xf32> to vector<16xf32>
        %parallel_loop3A_171 = vector.shape_cast %parallel_loop3A_166 : vector<16xf32> to vector<1x16xf32>
        tpu.vector_store %arg8[%parallel_loop3A_167, %parallel_loop3A_168], %parallel_loop3A_171 {add = true, strides = array<i32>} : memref<16x1024xf32, #tpu.memory_space<vmem>>, vector<1x16xf32>,
      } {sc.loop_unroll_factor = 8 : i64, sc.parallel_access}
    }
    %scan3A_104 = arith.constant 16 : i32
    %add3A_105 = arith.constant 32 : i32
    %add3A_106 = arith.addi %mul3A_2, %add3A_105 : i32
    %dma_start3A_107 = arith.constant 0 : i32
    %dma_start3A_108 = arith.constant 0 : i32
    %dma_start3A_109 = tpu.memref_slice %arg4[%dma_start3A_107, %add3A_106, %dma_start3A_108] : memref<1x2048x1024xf32, #tpu.memory_space<hbm>> -> memref<1x16x1024xf32, #tpu.memory_space<hbm>>
    %dma_start3A_110 = tpu.memref_squeeze %dma_start3A_109 : memref<1x16x1024xf32, #tpu.memory_space<hbm>> -> memref<16x1024xf32, #tpu.memory_space<hbm>>
    %dma_start3A_111 = arith.constant 0 : i32
    %dma_start3A_112 = tpu.memref_slice %arg4[%dma_start3A_107, %add3A_106, %dma_start3A_111] : memref<1x2048x1024xf32, #tpu.memory_space<hbm>> -> memref<1x16x1024xf32, #tpu.memory_space<hbm>>
    %dma_start3A_113 = tpu.memref_squeeze %dma_start3A_112 : memref<1x16x1024xf32, #tpu.memory_space<hbm>> -> memref<16x1024xf32, #tpu.memory_space<hbm>>
    tpu.enqueue_dma source(%arg8 : memref<16x1024xf32, #tpu.memory_space<vmem>>) target(%dma_start3A_113 : memref<16x1024xf32, #tpu.memory_space<hbm>>) target_semaphore(%arg14 : memref<!tpu.dma_semaphore, #tpu.memory_space<semaphore_mem>>)
    %dma_wait3A_114 = arith.constant 3 : i32
    %dma_wait3A_115 = arith.constant 0 : i32
    %dma_wait3A_116 = tpu.memref_slice %arg2[%dma_wait3A_114, %add3A_85, %dma_wait3A_115] : memref<4x2048x1024xf32, #tpu.memory_space<hbm>> -> memref<1x16x1024xf32, #tpu.memory_space<hbm>>
    %dma_wait3A_117 = tpu.memref_squeeze %dma_wait3A_116 : memref<1x16x1024xf32, #tpu.memory_space<hbm>> -> memref<16x1024xf32, #tpu.memory_space<hbm>>
    %dma_wait3A_118 = arith.constant 0 : i32
    %dma_wait3A_119 = tpu.memref_slice %arg2[%dma_wait3A_114, %add3A_85, %dma_wait3A_118] : memref<4x2048x1024xf32, #tpu.memory_space<hbm>> -> memref<1x16x1024xf32, #tpu.memory_space<hbm>>
    %dma_wait3A_120 = tpu.memref_squeeze %dma_wait3A_119 : memref<1x16x1024xf32, #tpu.memory_space<hbm>> -> memref<16x1024xf32, #tpu.memory_space<hbm>>
    tpu.wait_dma2 semaphore(%arg9 : memref<!tpu.dma_semaphore, #tpu.memory_space<semaphore_mem>>) src(%dma_wait3A_120 : memref<16x1024xf32, #tpu.memory_space<hbm>>) dst(%arg6 : memref<16x1024xf32, #tpu.memory_space<vmem>>)
    %scan3A_121 = arith.constant 0 : i32
    %scan3A_122 = arith.constant 16 : i32
    %scan3A_123 = arith.addi %scan3A_121, %scan3A_122 : i32
    %scan3A_124 = arith.constant 1 : i32
    scf.for %scan3A_149 = %scan3A_121 to %scan3A_123 step %scan3A_124  : i32 {
      %mul3A_150 = arith.constant 1 : i32
      %mul3A_151 = arith.muli %scan3A_149, %mul3A_150 : i32
      %add3A_152 = arith.constant 0 : i32
      %add3A_153 = arith.addi %add3A_152, %mul3A_151 : i32
      %add3A_154 = arith.constant 48 : i32
      %add3A_155 = arith.addi %add3A_154, %add3A_153 : i32
      %parallel_loop3A = arith.constant 0 : i32
      %parallel_loop3A_156 = arith.constant 64 : i32
      %parallel_loop3A_157 = arith.constant 1 : i32
      scf.for %parallel_loop3A_158 = %parallel_loop3A to %parallel_loop3A_156 step %parallel_loop3A_157  : i32 {
        %parallel_loop3A_159 = arith.constant 16 : i32
        %parallel_loop3A_160 = arith.muli %parallel_loop3A_158, %parallel_loop3A_159 : i32
        %parallel_loop3A_161 = arith.constant 16 : i32
        %parallel_loop3A_162 = arith.muli %parallel_loop3A_158, %parallel_loop3A_161 : i32
        %parallel_loop3A_163 = arith.index_cast %add3A_155 : i32 to index
        %parallel_loop3A_164 = arith.index_cast %parallel_loop3A_162 : i32 to index
        %parallel_loop3A_165 = tpu.vector_load %arg5[%parallel_loop3A_163, %parallel_loop3A_164] {strides = array<i32>} : memref<64x1024xf32, #tpu.memory_space<vmem>>, vector<1x16xf32>,
        %parallel_loop3A_166 = vector.shape_cast %parallel_loop3A_165 : vector<1x16xf32> to vector<16xf32>
        %parallel_loop3A_167 = arith.index_cast %add3A_153 : i32 to index
        %parallel_loop3A_168 = arith.index_cast %parallel_loop3A_160 : i32 to index
        %parallel_loop3A_169 = tpu.vector_load %arg6[%parallel_loop3A_167, %parallel_loop3A_168] {strides = array<i32>} : memref<16x1024xf32, #tpu.memory_space<vmem>>, vector<1x16xf32>,
        %parallel_loop3A_170 = vector.shape_cast %parallel_loop3A_169 : vector<1x16xf32> to vector<16xf32>
        %parallel_loop3A_171 = vector.shape_cast %parallel_loop3A_166 : vector<16xf32> to vector<1x16xf32>
        tpu.vector_store %arg6[%parallel_loop3A_167, %parallel_loop3A_168], %parallel_loop3A_171 {add = true, strides = array<i32>} : memref<16x1024xf32, #tpu.memory_space<vmem>>, vector<1x16xf32>,
      } {sc.loop_unroll_factor = 8 : i64, sc.parallel_access}
    }
    %scan3A_125 = arith.constant 16 : i32
    %add3A_126 = arith.constant 48 : i32
    %add3A_127 = arith.addi %mul3A_2, %add3A_126 : i32
    %dma_start3A_128 = arith.constant 0 : i32
    %dma_start3A_129 = arith.constant 0 : i32
    %dma_start3A_130 = tpu.memref_slice %arg4[%dma_start3A_128, %add3A_127, %dma_start3A_129] : memref<1x2048x1024xf32, #tpu.memory_space<hbm>> -> memref<1x16x1024xf32, #tpu.memory_space<hbm>>
    %dma_start3A_131 = tpu.memref_squeeze %dma_start3A_130 : memref<1x16x1024xf32, #tpu.memory_space<hbm>> -> memref<16x1024xf32, #tpu.memory_space<hbm>>
    %dma_start3A_132 = arith.constant 0 : i32
    %dma_start3A_133 = tpu.memref_slice %arg4[%dma_start3A_128, %add3A_127, %dma_start3A_132] : memref<1x2048x1024xf32, #tpu.memory_space<hbm>> -> memref<1x16x1024xf32, #tpu.memory_space<hbm>>
    %dma_start3A_134 = tpu.memref_squeeze %dma_start3A_133 : memref<1x16x1024xf32, #tpu.memory_space<hbm>> -> memref<16x1024xf32, #tpu.memory_space<hbm>>
    tpu.enqueue_dma source(%arg6 : memref<16x1024xf32, #tpu.memory_space<vmem>>) target(%dma_start3A_134 : memref<16x1024xf32, #tpu.memory_space<hbm>>) target_semaphore(%arg12 : memref<!tpu.dma_semaphore, #tpu.memory_space<semaphore_mem>>)
    %dma_wait3A_135 = arith.constant 0 : i32
    %dma_wait3A_136 = arith.constant 0 : i32
    %dma_wait3A_137 = tpu.memref_slice %arg4[%dma_wait3A_135, %add3A_106, %dma_wait3A_136] : memref<1x2048x1024xf32, #tpu.memory_space<hbm>> -> memref<1x16x1024xf32, #tpu.memory_space<hbm>>
    %dma_wait3A_138 = tpu.memref_squeeze %dma_wait3A_137 : memref<1x16x1024xf32, #tpu.memory_space<hbm>> -> memref<16x1024xf32, #tpu.memory_space<hbm>>
    %dma_wait3A_139 = arith.constant 0 : i32
    %dma_wait3A_140 = tpu.memref_slice %arg4[%dma_wait3A_135, %add3A_106, %dma_wait3A_139] : memref<1x2048x1024xf32, #tpu.memory_space<hbm>> -> memref<1x16x1024xf32, #tpu.memory_space<hbm>>
    %dma_wait3A_141 = tpu.memref_squeeze %dma_wait3A_140 : memref<1x16x1024xf32, #tpu.memory_space<hbm>> -> memref<16x1024xf32, #tpu.memory_space<hbm>>
    tpu.wait_dma2 semaphore(%arg14 : memref<!tpu.dma_semaphore, #tpu.memory_space<semaphore_mem>>) src(%arg8 : memref<16x1024xf32, #tpu.memory_space<vmem>>) dst(%dma_wait3A_141 : memref<16x1024xf32, #tpu.memory_space<hbm>>)
    %dma_wait3A_142 = arith.constant 0 : i32
    %dma_wait3A_143 = arith.constant 0 : i32
    %dma_wait3A_144 = tpu.memref_slice %arg4[%dma_wait3A_142, %add3A_127, %dma_wait3A_143] : memref<1x2048x1024xf32, #tpu.memory_space<hbm>> -> memref<1x16x1024xf32, #tpu.memory_space<hbm>>
    %dma_wait3A_145 = tpu.memref_squeeze %dma_wait3A_144 : memref<1x16x1024xf32, #tpu.memory_space<hbm>> -> memref<16x1024xf32, #tpu.memory_space<hbm>>
    %dma_wait3A_146 = arith.constant 0 : i32
    %dma_wait3A_147 = tpu.memref_slice %arg4[%dma_wait3A_142, %add3A_127, %dma_wait3A_146] : memref<1x2048x1024xf32, #tpu.memory_space<hbm>> -> memref<1x16x1024xf32, #tpu.memory_space<hbm>>
    %dma_wait3A_148 = tpu.memref_squeeze %dma_wait3A_147 : memref<1x16x1024xf32, #tpu.memory_space<hbm>> -> memref<16x1024xf32, #tpu.memory_space<hbm>>
    tpu.wait_dma2 semaphore(%arg12 : memref<!tpu.dma_semaphore, #tpu.memory_space<semaphore_mem>>) src(%arg6 : memref<16x1024xf32, #tpu.memory_space<vmem>>) dst(%dma_wait3A_148 : memref<16x1024xf32, #tpu.memory_space<hbm>>)
    return
  }
}

module attributes {stable_mosaic.version = 14 : i64} {
  func.func @_tc_add_body(%arg0: i32, %arg1: i32, %arg2: memref<1x2048x1024xf32, #tpu.memory_space<vmem>>, %arg3: memref<2048x1024xf32, #tpu.memory_space<vmem>>, %arg4: memref<1x2048x1024xf32, #tpu.memory_space<vmem>>) attributes {dimension_semantics = [#tpu.dimension_semantics<parallel>, #tpu.dimension_semantics<parallel>], iteration_bounds = array<i64: 1, 3>, scalar_prefetch = 0 : i64, scratch_operands = 0 : i64, tpu.core_type = #tpu.core_type<tc>, window_params = [{transform_indices = @transform_0, window_bounds = array<i64: 1, 2048, 1024>}, {transform_indices = @transform_1, window_bounds = array<i64: 2048, 1024>}, {transform_indices = @transform_2, window_bounds = array<i64: 1, 2048, 1024>}]} {
    %get3A = arith.constant 0 : index
    %get3A_0 = arith.constant 0 : index
    %get3A_1 = arith.constant 0 : index
    %get3A_2 = vector.load %arg2[%get3A, %get3A_0, %get3A_1] : memref<1x2048x1024xf32, #tpu.memory_space<vmem>>, vector<1x2048x1024xf32>
    %get3A_3 = arith.constant 0 : index
    %get3A_4 = arith.constant 0 : index
    %get3A_5 = vector.load %arg3[%get3A_3, %get3A_4] : memref<2048x1024xf32, #tpu.memory_space<vmem>>, vector<2048x1024xf32>
    %broadcast_in_dim3A = vector.shape_cast %get3A_5 : vector<2048x1024xf32> to vector<1x2048x1024xf32>
    %add3A = arith.addf %get3A_2, %broadcast_in_dim3A : vector<1x2048x1024xf32>
    %swap3A = arith.constant 0 : index
    %swap3A_6 = arith.constant 0 : index
    %swap3A_7 = arith.constant 0 : index
    %swap3A_8 = vector.load %arg4[%swap3A, %swap3A_6, %swap3A_7] : memref<1x2048x1024xf32, #tpu.memory_space<vmem>>, vector<1x2048x1024xf32>
    tpu.vector_store %arg4[%swap3A, %swap3A_6, %swap3A_7], %add3A {strides = array<i32>} : memref<1x2048x1024xf32, #tpu.memory_space<vmem>>, vector<1x2048x1024xf32>,
    return
  }
  func.func @transform_0(%arg0: i32, %arg1: i32) -> (i32, i32, i32) {
    %c0_i32 = arith.constant 0 : i32
    %c0_i32_0 = arith.constant 0 : i32
    return %arg1, %arg0, %c0_i32 : i32, i32, i32
  }
  func.func @transform_1(%arg0: i32, %arg1: i32) -> (i32, i32) {
    %c0_i32 = arith.constant 0 : i32
    %c0_i32_0 = arith.constant 0 : i32
    return %arg0, %c0_i32 : i32, i32
  }
  func.func @transform_2(%arg0: i32, %arg1: i32) -> (i32, i32, i32) {
    %c0_i32 = arith.constant 0 : i32
    %c0_i32_0 = arith.constant 0 : i32
    return %arg1, %arg0, %c0_i32 : i32, i32, i32
  }
}

</mosaic_0001>

<sc_bundles>
// kernel: kernel.4.cloned.1.call-start
scs
__scs_entry_jumppad:
0x0: {  	(pc) =	sbr.rel $0x88, $3  }
0x1: {  	(tag) =	ssettag $0x0;
	lr =	simm.s32 $0x1  }
0x2: {  	[smem:$0x3F9F] =	sst lr;
	_ =	strace $0xD0000000  }
0x3: {  	_ = 	snop  }
0x4: {  	_ = 	snop  }
0x5: {  	_ = 	snop  }
0x6: {  	_ = 	snop  }
0x7: {  	_ = 	snop  }
__scs_overlays_trampoline_lowered:
0x8: {  	[smem:$0x3FAE] =	sst s0  }
0x9: {  	[smem:$0x3FAF] =	sst s1  }
0xa: {  	[smem:$0x3FB0] =	sst s2  }
0xb: {  	[smem:$0x3FB1] =	sst s3  }
0xc: {  	[smem:$0x3FB2] =	sst s4  }
0xd: {  	[smem:$0x3FB3] =	sst s5  }
0xe: {  	[smem:$0x3FB4] =	sst s6  }
0xf: {  	[smem:$0x3FB5] =	sst s7  }
0x10: {  	[smem:$0x3FB6] =	sst s8  }
0x11: {  	[smem:$0x3FB7] =	sst s9;
	s0 =	simm.s32 @!p0 $0x0  }
0x12: {  	s1 =	sld [smem:$0x3F9D];
	s0 =	simm.s32 @p0 $0x1  }
0x13: {  	[smem:$0x3FB8] =	sst s0;
	s0 =	simm.s32 @!p1 $0x0  }
0x14: {  	s2 =	sld [smem:$0x3F9C];
	s0 =	simm.s32 @p1 $0x1  }
0x15: {  	[smem:$0x3FB9] =	sst s0;
	s0 =	simm.s32 @!p2 $0x0  }
0x16: {  	s3 =	sld [smem:$0x3FDB];
	s0 =	simm.s32 @p2 $0x1  }
0x17: {  	s4 =	simm.s32 $0x1BF5;
	[smem:$0x3FBB] =	sst s0  }
0x18: {  	s0 =	sld [smem:$0x3F9E];
	_ =	swait.ge [sflag:s4], $0x0  }
0x19: {  	s7 =	sld [smem:$0x3F9F]  }
0x1a: {  	s8 =	sadd.s32 $0xFFFFE003, lr  }
0x1b: {  	s9 =	sadd.s32 $0xFFFFFEF7, lr;
	s5 =	simm.s32 $0xFFFFFFFF;
	p2 =	slt.u32 s8, $0xFFFFF086  }
0x1c: {  	p1 =	slt.u32 s9, $0xF7A;
	s5 =	simm.s32 @!p2 $0x0  }
0x1d: {  	s5 =	simm.s32 @p1 $0x1;
	p0 =	seq.s32 s7, s2  }
0x1e: {  	s7 =	smul.u32 @!p0 $0xF7A, s2;
	p2 =	seq.s32 @!p0 s5, $0x0  }
0x1f: {  	s9 =	smul.u32 $0xF7A, s1;
	s8 =	simm.s32 @!p0 $0x1BF5;
	p2 =	por !p2, p0  }
0x20: {  	[sflag:s8] =	ssyncset.s32 @!p0 $0xFFFFF086;
	s6 =	sadd.s32 @!p0 s3, s7;
	s7 =	simm.s32 @!p0 $0x108  }
0x21: {  	s3 =	sadd.s32 s3, s9;
	s6 =	sadd.s32 @!p0 $0x88, s6;
	s7 =	simm.s32 @p2 $0x1082  }
0x22: {  	[simem:s7], [sflag:s8] =	dma.local @!p0 [hbm:s6], $0xF7A  }
0x23: {  	s9 =	sor.u32 $0xD0000000, s2;
	s6 =	simm.s32 $0x108;
	_ =	swait.ge @!p0 [sflag:s8], $0x0  }
0x24: {  	s3 =	sadd.s32 $0x88, s3;
	s6 =	simm.s32 @!p1 $0x1082;
	[sflag:s4] =	ssyncset.s32 $0xFFFFF086  }
0x25: {  	[simem:s6], [sflag:s4] =	dma.local [hbm:s3], $0xF7A  }
0x26: {  	[smem:$0x3F9F] =	sst s1;
	(tag) =	ssettag s2;
	_ =	strace s9  }
0x27: {  	s1 =	sld [smem:$0x3FAF]  }
0x28: {  	s2 =	sld [smem:$0x3FB0]  }
0x29: {  	s4 =	sld [smem:$0x3FB2]  }
0x2a: {  	p0 =	seq.s32 s5, $0x0;
	s5 =	sld [smem:$0x3FB3]  }
0x2b: {  	s6 =	sld [smem:$0x3FB4]  }
0x2c: {  	s7 =	sld [smem:$0x3FB5]  }
0x2d: {  	s3 =	simm.s32 $0x108;
	s8 =	sld [smem:$0x3FB6]  }
0x2e: {  	s3 =	simm.s32 @!p0 $0x1082;
	s9 =	sld [smem:$0x3FB7]  }
0x2f: {  	lr =	sadd.s32 s0, s3;
	s0 =	sld [smem:$0x3FAE]  }
0x30: {  	s3 =	sld [smem:$0x3FB1]  }
0x31: {  	[smem:$0x3FBA] =	sst s10  }
0x32: {  	s10 =	sld [smem:$0x3FB8];
	_ =	sdelay $0x3  }
0x33: {  	p0 =	seq.s32 s10, $0x1;
	s10 =	sld [smem:$0x3FBA];
	_ =	sdelay $0x3  }
0x34: {  	[smem:$0x3FBA] =	sst s10  }
0x35: {  	s10 =	sld [smem:$0x3FB9];
	_ =	sdelay $0x3  }
0x36: {  	p1 =	seq.s32 s10, $0x1;
	s10 =	sld [smem:$0x3FBA];
	_ =	sdelay $0x3  }
0x37: {  	[smem:$0x3FBA] =	sst s10  }
0x38: {  	s10 =	sld [smem:$0x3FBB]  }
0x39: {  	_ = 	snop;
	(pc) =	sbr.ind lr, $3  }
0x3a: {  	_ = 	snop  }
0x3b: {  	_ = 	snop  }
0x3c: {  	p2 =	seq.s32 s10, $0x1;
	s10 =	sld [smem:$0x3FBA]  }
0x3d: {  	_ =	shalt  }
0x3e: {  	_ =	shalt  }
0x3f: {  	_ =	shalt  }
0x40: {  	_ =	shalt  }
0x41: {  	_ =	shalt  }
0x42: {  	_ =	shalt  }
0x43: {  	_ =	shalt  }
0x44: {  	_ =	shalt  }
0x45: {  	_ =	shalt  }
0x46: {  	_ =	shalt  }
0x47: {  	_ =	shalt  }
0x48: {  	_ =	shalt  }
0x49: {  	_ =	shalt  }
0x4a: {  	_ =	shalt  }
0x4b: {  	_ =	shalt  }
0x4c: {  	_ =	shalt  }
0x4d: {  	_ =	shalt  }
0x4e: {  	_ =	shalt  }
0x4f: {  	_ =	shalt  }
0x50: {  	_ =	shalt  }
0x51: {  	_ =	shalt  }
0x52: {  	_ =	shalt  }
0x53: {  	_ =	shalt  }
0x54: {  	_ =	shalt  }
0x55: {  	_ =	shalt  }
0x56: {  	_ =	shalt  }
0x57: {  	_ =	shalt  }
0x58: {  	_ =	shalt  }
0x59: {  	_ =	shalt  }
0x5a: {  	_ =	shalt  }
0x5b: {  	_ =	shalt  }
0x5c: {  	_ =	shalt  }
0x5d: {  	_ =	shalt  }
0x5e: {  	_ =	shalt  }
0x5f: {  	_ =	shalt  }
0x60: {  	_ =	shalt  }
0x61: {  	_ =	shalt  }
0x62: {  	_ =	shalt  }
0x63: {  	_ =	shalt  }
0x64: {  	_ =	shalt  }
0x65: {  	_ =	shalt  }
0x66: {  	_ =	shalt  }
0x67: {  	_ =	shalt  }
0x68: {  	_ =	shalt  }
0x69: {  	_ =	shalt  }
0x6a: {  	_ =	shalt  }
0x6b: {  	_ =	shalt  }
0x6c: {  	_ =	shalt  }
0x6d: {  	_ =	shalt  }
0x6e: {  	_ =	shalt  }
0x6f: {  	_ =	shalt  }
0x70: {  	_ =	shalt  }
0x71: {  	_ =	shalt  }
0x72: {  	_ =	shalt  }
0x73: {  	_ =	shalt  }
0x74: {  	_ =	shalt  }
0x75: {  	_ =	shalt  }
0x76: {  	_ =	shalt  }
0x77: {  	_ =	shalt  }
0x78: {  	_ =	shalt  }
0x79: {  	_ =	shalt  }
0x7a: {  	_ =	shalt  }
0x7b: {  	_ =	shalt  }
0x7c: {  	_ =	shalt  }
0x7d: {  	_ =	shalt  }
0x7e: {  	_ =	shalt  }
0x7f: {  	_ =	shalt  }
0x80: {  	_ =	shalt  }
0x81: {  	_ =	shalt  }
0x82: {  	_ =	shalt  }
0x83: {  	_ =	shalt  }
0x84: {  	_ =	shalt  }
0x85: {  	_ =	shalt  }
0x86: {  	_ =	shalt  }
0x87: {  	_ =	shalt  }
.Lfunc_end0:
.L_simem_size_0:
called_computation_lowered:
.L_overlay_start_0:
0x88: {  	s2 =	sld [smem:$0x3FD9]  }
0x89: {  	s3 =	sld [smem:$0x3FFE];
	_ =	sdelay $0x1  }
0x8a: {  	s1 =	srdreg.scid  }
0x8b: {  	s0 =	sand.u32 $0x1, s1  }
0x8c: {  	s17 =	sshll.u32 s0, $0xA;
	s2 =	sadd.s32 s3, s2  }
0x8d: {  	s2 =	sadd.s32 s2, s17  }
0x8e: {  	[smem:$0x3FC6] =	sst s2  }
0x8f: {  	_ = 	snop  }
0x90: {  	s2 =	sld [smem:$0x3FC9]  }
0x91: {  	s18 =	sld [smem:$0x3FC8];
	(tm) =	ssettm $0x1  }
0x92: {  	s4 =	sld [smem:$0x3FFB];
	_ =	sdelay $0x3  }
0x93: {  	_ =	strace s4  }
0x94: {  	s4 =	sld [smem:$0x3FFC];
	_ =	sdelay $0x3  }
0x95: {  	_ =	strace s4  }
0x96: {  	s4 =	sld [smem:$0x3FFD];
	_ =	sdelay $0x3  }
0x97: {  	_ =	strace s4  }
0x98: {  	_ =	strace $0x8FFFFFFF  }
0x99: {  	s19 =	sld [smem:$0x3FDB];
	_ =	sdelay $0x1  }
0x9a: {  	s5 =	simm.s32 $_scs_section_size  }
0x9b: {  	s6 =	simm.s32 $_size__tile_overlayer_lowered;
	s7 =	simm.s32 $_tile_overlayer_lowered  }
0x9c: {  	s22 =	simm.s32 $0x1BFF;
	s21 =	sshll.u32 s7, $0x1;
	s4 =	sadd.s32 s5, s19  }
0x9d: {  	s8 =	simm.s32 $0x0;
	s20 =	sshll.u32 s6, $0x1;
	s6 =	sadd.s32 s21, s4  }
0x9e: {  	[timem:s8], [sflag:s22] =	dma.local [hbm:s6], s20  }
0x9f: {  	_ =	swait.ge [sflag:s22], s20  }
0xa0: {  	s5 =	ssub.s32 $0x0, s20;
	[sflag:s22] =	ssyncset.done $0x0  }
0xa1: {  	[sflag:s22] =	ssyncadd.s32 s5;
	_ =	sdelay $0x1  }
0xa2: {  	s23 =	simm.s32 $0x1B8B  }
0xa3: {  	_ =	swait.ge [sflag:s23], $0x1  }
0xa4: {  	[sflag:s23] =	ssyncset.done $0x0  }
0xa5: {  	s25 =	simm.s32 $0x1B8E;
	s24 =	sld [smem:$0x3FFE];
	[sflag:s23] =	ssyncadd.s32 $0xFFFFFFFF  }
0xa6: {  	s26 =	simm.s32 $execute0_lowered;
	[smem:$0x3FD2] =	sst s25  }
0xa7: {  	s6 =	sshll.u32 s26, $0x1;
	_ =	strace $0x80000046;
	[dreg:$0x1] =	wrdreg $0xFFFFFFFF  }
0xa8: {  	s28 =	simm.s32 $_size_execute0_lowered;
	s4 =	sadd.s32 s4, s6;
	[dreg:$0x0] =	wrdreg $0x0  }
0xa9: {  	s6 =	sshll.u32 s28, $0x1;
	[dreg:$0x2] =	wrdreg s4  }
0xaa: {  	[dreg:$0x3] =	wrdreg s6  }
0xab: {  	[dreg:$0x4] =	wrdreg $0xC0  }
0xac: {  	_ =	task [dreg:s8], $0x5FFFF  }
0xad: {  	[dreg:$0x1] =	wrdreg $0xFFFFFFFF  }
0xae: {  	[dreg:$0x0] =	wrdreg $0x60  }
0xaf: {  	[dreg:$0x2] =	wrdreg s2  }
0xb0: {  	[dreg:$0x3] =	wrdreg s18  }
0xb1: {  	[dreg:$0x4] =	wrdreg s24  }
0xb2: {  	[dreg:$0x5] =	wrdreg $0x9  }
0xb3: {  	_ =	task.clear_ibuf [dreg:s8], $0x6FFFF;
	_ =	strace $0x90000046  }
0xb4: {  	s29 =	simm.s32 $0x9;
	_ =	strace $0x80000048  }
0xb5: {  	_ =	swait.ge [sflag:s29], $0x1  }
0xb6: {  	[sflag:s29] =	ssyncadd.s32 $0xFFFFFFFF  }
0xb7: {  	_ =	strace $0x90000048  }
0xb8: {  	_ =	sfence  }
0xb9: {  	s30 =	sld [smem:$0x0];
	_ =	sdelay $0x2  }
0xba: {  	s31 =	sshll.u32 s1, $0xD;
	s1 =	sshrl.u32 s1, $0x2  }
0xbb: {  	s3 =	sand.u32 $0x4000, s31;
	s1 =	sadd.s32 s1, s30  }
0xbc: {  	s0 =	sor.u32 s3, s0;
	s1 =	sshll.u32 s1, $0x11  }
0xbd: {  	s0 =	sor.u32 s1, s0  }
0xbe: {  	s0 =	sadd.s32 $0x8F2B, s0  }
0xbf: {  	[sflag:s0] =	ssyncadd.remote.s32 $0x1  }
0xc0: {  	_ =	sfence.sel $0xFFFF  }
0xc1: {  	[dreg:$0x0] =	wrdreg $0xFFFFFFFF;
	(pc) =	sbr.abs _section_cstart, $3  }
0xc2: {  	[dreg:$0x1] =	wrdreg $0xFFFFFFFF  }
0xc3: {  	_ =	task.clear_ibuf [dreg:s8], $0x2FFFF;
	_ =	strace $0x9FFFFFFF  }
0xc4: {  	(tm) =	ssettm $0x7FFFFFFF  }
0xc5: {  	_ =	shalt  }
tec
execute0_lowered:
.L_overlay_start_1:
0x0: {  	(tag) =	ssettag $0x1  }
0x1: {  	s3 =	rddreg [dreg:$0x0]  }
0x2: {  	s4 =	rddreg [dreg:$0x1]  }
0x3: {  	s5 =	rddreg [dreg:$0x2]  }
0x4: {  	s0 =	rddreg [dreg:$0x3];
	s6 =	srdreg.scid  }
0x5: {  	s2 =	simm.s32 $0x0;
	s1 =	stileid.u32;
	s13 =	simm.s32 $0x10000  }
0x6: {  	s14 =	simm.s32 $0x14000;
	s15 =	simm.s32 $0x7;
	s16 =	simm.s32 $0x1  }
0x7: {  	s17 =	simm.s32 $0x18000;
	s18 =	simm.s32 $0x2;
	s19 =	simm.s32 $0x4  }
0x8: {  	s20 =	simm.s32 $0x3;
	s21 =	simm.s32 $0x6;
	s6 =	sand.u32 $0x1, s6  }
0x9: {  	s22 =	simm.s32 $0x0;
	s7 =	sshll.u32 s1, $0xE;
	s8 =	sshll.u32 s6, $0xD  }
0xa: {  	[smem:$0x7FF] =	sst s2;
	s6 =	ssub.s32 $0x2, s6;
	s7 =	sor.u32 s8, s7  }
0xb: {  	_ =	strace $0x80000047;
	s31 =	sshrl.u32 s6, $0x1;
	s11 =	sadd.s32 s7, s5  }
0xc: {  	s9 =	sadd.s32 s7, s3;
	s12 =	ssub.s32 s6, s31;
	s3 =	sadd.s32 s4, s7  }
0xd: {  	s4 =	sadd.s32 $0xC0000, s9;
	s5 =	sadd.s32 $0xC0800, s9;
	s6 =	sadd.s32 $0x600, s11  }
0xe: {  	s7 =	sadd.s32 $0xC1000, s9;
	s8 =	sadd.s32 $0xE00, s11;
	s9 =	sadd.s32 $0xC1800, s9  }
0xf: {  	s10 =	sadd.s32 $0x1600, s11;
	s11 =	sadd.s32 $0x1E00, s11;
	s12 =	smax.u32 s12, $0x1  }
.LBB2_1:
0x10: {  	[tilespmem:s2], [sflag:$0x7] =	stream.linear.gather [hbm4b:s3+s2], $0x10000, $0x38;
	[tilespmem:$0x1C000] =	vst v63  }
0x11: {  	_ = 	snop  }
0x12: {  	[tilespmem:s13], [sflag:$0x1] =	stream.linear.gather [hbm4b:s4+s2], $0x4000, $0x38;
	[tilespmem:$0x1C000] =	vst v63  }
0x13: {  	_ = 	snop  }
0x14: {  	[tilespmem:s14], [sflag:$0x2] =	stream.linear.gather [hbm4b:s5+s2], $0x4000, $0x38;
	[tilespmem:$0x1C000] =	vst v63  }
0x15: {  	_ =	swait.ge [sflag:s15], $0x10000  }
0x16: {  	[sflag:s15] =	ssyncset.done $0x0  }
0x17: {  	[sflag:s15] =	ssyncadd.s32 $0xFFFF0000  }
0x18: {  	_ =	swait.ge [sflag:s16], $0x4000  }
0x19: {  	s23 =	simm.s32 $0x0;
	[sflag:s16] =	ssyncset.done $0x0  }
0x1a: {  	s24 =	simm.s32 $0x0;
	s25 =	simm.s32 $0x0;
	[sflag:s16] =	ssyncadd.s32 $0xFFFFC000  }
.LBB2_2:
0x1b: {  	s26 =	sand.u32 $0x7, s24  }
0x1c: {  	s26 =	sshll.u32 s26, $0x9  }
0x1d: {  	s26 =	sshrl.u32 s26, $0x2  }
0x1e: {  	v0 =	vmov s26;
	_ =	sdelay $0x2  }
0x1f: {  	s28 =	sand.u32 $0x3FFFE000, s23  }
0x20: {  	s30 =	sor.u32 $0x40, s28  }
0x21: {  	v1 =	vld.idx.msk [tilespmem:v0+s30+$0x30 ss:$0x1], $0xffff  }
0x22: {  	v2 =	vld.idx.msk [tilespmem:v0+s30+$0xFFFFFFD0 ss:$0x1], $0xffff  }
0x23: {  	v3 =	vld.idx.msk [tilespmem:v0+s30+$0xFFFFFFE0 ss:$0x1], $0xffff  }
0x24: {  	v4 =	vld.idx.msk [tilespmem:v0+s30+$0xFFFFFFF0 ss:$0x1], $0xffff  }
0x25: {  	v5 =	vld.idx.msk [tilespmem:v0+s30+$0x0 ss:$0x1], $0xffff  }
0x26: {  	s28 =	sadd.s32 $0x10000, s28;
	v6 =	vld.idx.msk [tilespmem:v0+s30+$0x10 ss:$0x1], $0xffff  }
0x27: {  	s31 =	sadd.s32 s26, s28;
	v7 =	vld.idx.msk [tilespmem:v0+s30+$0xFFFFFFC0 ss:$0x1], $0xffff  }
0x28: {  	[tilespmem:s31+$0x70] =	vst.add.f32.msk $0xffff, v1  }
0x29: {  	v1 =	vld.idx.msk [tilespmem:v0+s30+$0x20 ss:$0x1], $0xffff  }
0x2a: {  	[tilespmem:s31+$0x10] =	vst.add.f32.msk $0xffff, v2  }
0x2b: {  	[tilespmem:s31+$0x20] =	vst.add.f32.msk $0xffff, v3  }
0x2c: {  	[tilespmem:s31+$0x30] =	vst.add.f32.msk $0xffff, v4  }
0x2d: {  	[tilespmem:s31+$0x40] =	vst.add.f32.msk $0xffff, v5  }
0x2e: {  	[tilespmem:s31+$0x50] =	vst.add.f32.msk $0xffff, v6  }
0x2f: {  	[tilespmem:s31+$0x0] =	vst.add.f32.msk $0xffff, v7  }
0x30: {  	s29 =	simm.s32 $0x0;
	s30 =	sadd.s32 $0x400, s30;
	[tilespmem:s31+$0x60] =	vst.add.f32.msk $0xffff, v1  }
.LBB2_3:
0x31: {  	v1 =	vld.idx.msk [tilespmem:v0+s30+$0x30 ss:$0x1], $0xffff;
	s29 =	sadd.s32 $0x8, s29  }
0x32: {  	v2 =	vld.idx.msk [tilespmem:v0+s30+$0xFFFFFFD0 ss:$0x1], $0xffff;
	p0 =	slt.u32 s29, $0x38  }
0x33: {  	v3 =	vld.idx.msk [tilespmem:v0+s30+$0xFFFFFFE0 ss:$0x1], $0xffff  }
0x34: {  	v4 =	vld.idx.msk [tilespmem:v0+s30+$0xFFFFFFF0 ss:$0x1], $0xffff  }
0x35: {  	s28 =	sadd.s32 $0x400, s28;
	v5 =	vld.idx.msk [tilespmem:v0+s30+$0x0 ss:$0x1], $0xffff  }
0x36: {  	s31 =	sadd.s32 s26, s28;
	v6 =	vld.idx.msk [tilespmem:v0+s30+$0x10 ss:$0x1], $0xffff  }
0x37: {  	[tilespmem:s31+$0x70] =	vst.add.f32.msk $0xffff, v1  }
0x38: {  	v1 =	vld.idx.msk [tilespmem:v0+s30+$0x20 ss:$0x1], $0xffff  }
0x39: {  	v7 =	vld.idx.msk [tilespmem:v0+s30+$0xFFFFFFC0 ss:$0x1], $0xffff  }
0x3a: {  	[tilespmem:s31+$0x10] =	vst.add.f32.msk $0xffff, v2  }
0x3b: {  	[tilespmem:s31+$0x20] =	vst.add.f32.msk $0xffff, v3  }
.Ltmp0:
0x3c: {  	[tilespmem:s31+$0x30] =	vst.add.f32.msk $0xffff, v4;
	(pc) =	sbr.rel @p0 .LBB2_3-.Ltmp0, $4  }
0x3d: {  	[tilespmem:s31+$0x40] =	vst.add.f32.msk $0xffff, v5  }
0x3e: {  	[tilespmem:s31+$0x50] =	vst.add.f32.msk $0xffff, v6  }
0x3f: {  	[tilespmem:s31+$0x0] =	vst.add.f32.msk $0xffff, v7  }
0x40: {  	s30 =	sadd.s32 $0x400, s30;
	[tilespmem:s31+$0x60] =	vst.add.f32.msk $0xffff, v1  }
0x41: {  	s25 =	sadd.s32 $0x1, s25  }
0x42: {  	p0 =	sne.s32 s25, $0x10  }
.Ltmp1:
0x43: {  	_ = 	snop;
	(pc) =	sbr.rel @p0 .LBB2_2-.Ltmp1, $2  }
0x44: {  	_ =	sdelay $0x2  }
0x45: {  	s24 =	sadd.s32 $0x1, s24;
	s23 =	sadd.s32 $0x400, s23  }
0x46: {  	s23 =	simm.s32 $0x0  }
0x47: {  	[hbm4b:s6+s23] =	stream.linear.scatter [tilespmem:s13], [sflag:$0x4], $0x4000, $0x38;
	[tilespmem:$0x1C000] =	vst v63  }
0x48: {  	_ = 	snop  }
0x49: {  	[tilespmem:s17], [sflag:$0x3] =	stream.linear.gather [hbm4b:s7+s23], $0x4000, $0x38;
	[tilespmem:$0x1C000] =	vst v63  }
0x4a: {  	_ =	swait.ge [sflag:s18], $0x4000  }
0x4b: {  	[sflag:s18] =	ssyncset.done $0x0  }
0x4c: {  	s24 =	simm.s32 $0x0;
	s25 =	simm.s32 $0x0;
	[sflag:s18] =	ssyncadd.s32 $0xFFFFC000  }
.LBB2_6:
0x4d: {  	s26 =	sand.u32 $0x7, s24  }
0x4e: {  	s26 =	sshll.u32 s26, $0x9  }
0x4f: {  	s26 =	sshrl.u32 s26, $0x2  }
0x50: {  	v0 =	vmov s26;
	_ =	sdelay $0x3  }
0x51: {  	s30 =	sand.u32 $0x3FFFE000, s23  }
0x52: {  	v1 =	vld.idx.msk [tilespmem:v0+s30+$0x4070 ss:$0x1], $0xffff  }
0x53: {  	v2 =	vld.idx.msk [tilespmem:v0+s30+$0x4010 ss:$0x1], $0xffff  }
0x54: {  	v3 =	vld.idx.msk [tilespmem:v0+s30+$0x4020 ss:$0x1], $0xffff  }
0x55: {  	v4 =	vld.idx.msk [tilespmem:v0+s30+$0x4030 ss:$0x1], $0xffff  }
0x56: {  	v5 =	vld.idx.msk [tilespmem:v0+s30+$0x4040 ss:$0x1], $0xffff  }
0x57: {  	s28 =	sadd.s32 $0x14000, s30;
	v6 =	vld.idx.msk [tilespmem:v0+s30+$0x4050 ss:$0x1], $0xffff  }
0x58: {  	s31 =	sadd.s32 s26, s28;
	v7 =	vld.idx.msk [tilespmem:v0+s30+$0x4000 ss:$0x1], $0xffff  }
0x59: {  	[tilespmem:s31+$0x70] =	vst.add.f32.msk $0xffff, v1  }
0x5a: {  	v1 =	vld.idx.msk [tilespmem:v0+s30+$0x4060 ss:$0x1], $0xffff  }
0x5b: {  	[tilespmem:s31+$0x10] =	vst.add.f32.msk $0xffff, v2  }
0x5c: {  	[tilespmem:s31+$0x20] =	vst.add.f32.msk $0xffff, v3  }
0x5d: {  	[tilespmem:s31+$0x30] =	vst.add.f32.msk $0xffff, v4  }
0x5e: {  	[tilespmem:s31+$0x40] =	vst.add.f32.msk $0xffff, v5  }
0x5f: {  	[tilespmem:s31+$0x50] =	vst.add.f32.msk $0xffff, v6  }
0x60: {  	[tilespmem:s31+$0x0] =	vst.add.f32.msk $0xffff, v7  }
0x61: {  	s29 =	simm.s32 $0x0;
	s30 =	sadd.s32 $0x400, s30;
	[tilespmem:s31+$0x60] =	vst.add.f32.msk $0xffff, v1  }
.LBB2_7:
0x62: {  	v1 =	vld.idx.msk [tilespmem:v0+s30+$0x4070 ss:$0x1], $0xffff;
	s29 =	sadd.s32 $0x8, s29  }
0x63: {  	v2 =	vld.idx.msk [tilespmem:v0+s30+$0x4010 ss:$0x1], $0xffff;
	p0 =	slt.u32 s29, $0x38  }
0x64: {  	v3 =	vld.idx.msk [tilespmem:v0+s30+$0x4020 ss:$0x1], $0xffff  }
0x65: {  	v4 =	vld.idx.msk [tilespmem:v0+s30+$0x4030 ss:$0x1], $0xffff  }
0x66: {  	s28 =	sadd.s32 $0x400, s28;
	v5 =	vld.idx.msk [tilespmem:v0+s30+$0x4040 ss:$0x1], $0xffff  }
0x67: {  	s31 =	sadd.s32 s26, s28;
	v6 =	vld.idx.msk [tilespmem:v0+s30+$0x4050 ss:$0x1], $0xffff  }
0x68: {  	[tilespmem:s31+$0x70] =	vst.add.f32.msk $0xffff, v1  }
0x69: {  	v1 =	vld.idx.msk [tilespmem:v0+s30+$0x4060 ss:$0x1], $0xffff  }
0x6a: {  	v7 =	vld.idx.msk [tilespmem:v0+s30+$0x4000 ss:$0x1], $0xffff  }
0x6b: {  	[tilespmem:s31+$0x10] =	vst.add.f32.msk $0xffff, v2  }
0x6c: {  	[tilespmem:s31+$0x20] =	vst.add.f32.msk $0xffff, v3  }
.Ltmp2:
0x6d: {  	[tilespmem:s31+$0x30] =	vst.add.f32.msk $0xffff, v4;
	(pc) =	sbr.rel @p0 .LBB2_7-.Ltmp2, $4  }
0x6e: {  	[tilespmem:s31+$0x40] =	vst.add.f32.msk $0xffff, v5  }
0x6f: {  	[tilespmem:s31+$0x50] =	vst.add.f32.msk $0xffff, v6  }
0x70: {  	[tilespmem:s31+$0x0] =	vst.add.f32.msk $0xffff, v7  }
0x71: {  	s30 =	sadd.s32 $0x400, s30;
	[tilespmem:s31+$0x60] =	vst.add.f32.msk $0xffff, v1  }
0x72: {  	s25 =	sadd.s32 $0x1, s25  }
0x73: {  	p0 =	sne.s32 s25, $0x10  }
.Ltmp3:
0x74: {  	_ = 	snop;
	(pc) =	sbr.rel @p0 .LBB2_6-.Ltmp3, $2  }
0x75: {  	_ =	sdelay $0x2  }
0x76: {  	s24 =	sadd.s32 $0x1, s24;
	s23 =	sadd.s32 $0x400, s23  }
0x77: {  	s23 =	simm.s32 $0x0  }
0x78: {  	[hbm4b:s8+s23] =	stream.linear.scatter [tilespmem:s14], [sflag:$0x5], $0x4000, $0x38;
	[tilespmem:$0x1C000] =	vst v63  }
0x79: {  	_ =	swait.ge [sflag:s19], $0x4000  }
0x7a: {  	[sflag:s19] =	ssyncset.done $0x0  }
0x7b: {  	[sflag:s19] =	ssyncadd.s32 $0xFFFFC000  }
0x7c: {  	[tilespmem:s13], [sflag:$0x1] =	stream.linear.gather [hbm4b:s9+s23], $0x4000, $0x38;
	[tilespmem:$0x1C000] =	vst v63  }
0x7d: {  	_ =	swait.ge [sflag:s20], $0x4000  }
0x7e: {  	[sflag:s20] =	ssyncset.done $0x0  }
0x7f: {  	s24 =	simm.s32 $0x0;
	s25 =	simm.s32 $0x0;
	[sflag:s20] =	ssyncadd.s32 $0xFFFFC000  }
.LBB2_10:
0x80: {  	s26 =	sand.u32 $0x7, s24  }
0x81: {  	s26 =	sshll.u32 s26, $0x9  }
0x82: {  	s26 =	sshrl.u32 s26, $0x2  }
0x83: {  	v0 =	vmov s26;
	_ =	sdelay $0x3  }
0x84: {  	s30 =	sand.u32 $0x3FFFE000, s23  }
0x85: {  	v1 =	vld.idx.msk [tilespmem:v0+s30+$0x8070 ss:$0x1], $0xffff  }
0x86: {  	v2 =	vld.idx.msk [tilespmem:v0+s30+$0x8010 ss:$0x1], $0xffff  }
0x87: {  	v3 =	vld.idx.msk [tilespmem:v0+s30+$0x8020 ss:$0x1], $0xffff  }
0x88: {  	v4 =	vld.idx.msk [tilespmem:v0+s30+$0x8030 ss:$0x1], $0xffff  }
0x89: {  	v5 =	vld.idx.msk [tilespmem:v0+s30+$0x8040 ss:$0x1], $0xffff  }
0x8a: {  	s28 =	sadd.s32 $0x18000, s30;
	v6 =	vld.idx.msk [tilespmem:v0+s30+$0x8050 ss:$0x1], $0xffff  }
0x8b: {  	s31 =	sadd.s32 s26, s28;
	v7 =	vld.idx.msk [tilespmem:v0+s30+$0x8000 ss:$0x1], $0xffff  }
0x8c: {  	[tilespmem:s31+$0x70] =	vst.add.f32.msk $0xffff, v1  }
0x8d: {  	v1 =	vld.idx.msk [tilespmem:v0+s30+$0x8060 ss:$0x1], $0xffff  }
0x8e: {  	[tilespmem:s31+$0x10] =	vst.add.f32.msk $0xffff, v2  }
0x8f: {  	[tilespmem:s31+$0x20] =	vst.add.f32.msk $0xffff, v3  }
0x90: {  	[tilespmem:s31+$0x30] =	vst.add.f32.msk $0xffff, v4  }
0x91: {  	[tilespmem:s31+$0x40] =	vst.add.f32.msk $0xffff, v5  }
0x92: {  	[tilespmem:s31+$0x50] =	vst.add.f32.msk $0xffff, v6  }
0x93: {  	[tilespmem:s31+$0x0] =	vst.add.f32.msk $0xffff, v7  }
0x94: {  	s29 =	simm.s32 $0x0;
	s30 =	sadd.s32 $0x400, s30;
	[tilespmem:s31+$0x60] =	vst.add.f32.msk $0xffff, v1  }
.LBB2_11:
0x95: {  	v1 =	vld.idx.msk [tilespmem:v0+s30+$0x8070 ss:$0x1], $0xffff;
	s29 =	sadd.s32 $0x8, s29  }
0x96: {  	v2 =	vld.idx.msk [tilespmem:v0+s30+$0x8010 ss:$0x1], $0xffff;
	p0 =	slt.u32 s29, $0x38  }
0x97: {  	v3 =	vld.idx.msk [tilespmem:v0+s30+$0x8020 ss:$0x1], $0xffff  }
0x98: {  	v4 =	vld.idx.msk [tilespmem:v0+s30+$0x8030 ss:$0x1], $0xffff  }
0x99: {  	s28 =	sadd.s32 $0x400, s28;
	v5 =	vld.idx.msk [tilespmem:v0+s30+$0x8040 ss:$0x1], $0xffff  }
0x9a: {  	s31 =	sadd.s32 s26, s28;
	v6 =	vld.idx.msk [tilespmem:v0+s30+$0x8050 ss:$0x1], $0xffff  }
0x9b: {  	[tilespmem:s31+$0x70] =	vst.add.f32.msk $0xffff, v1  }
0x9c: {  	v1 =	vld.idx.msk [tilespmem:v0+s30+$0x8060 ss:$0x1], $0xffff  }
0x9d: {  	v7 =	vld.idx.msk [tilespmem:v0+s30+$0x8000 ss:$0x1], $0xffff  }
0x9e: {  	[tilespmem:s31+$0x10] =	vst.add.f32.msk $0xffff, v2  }
0x9f: {  	[tilespmem:s31+$0x20] =	vst.add.f32.msk $0xffff, v3  }
.Ltmp4:
0xa0: {  	[tilespmem:s31+$0x30] =	vst.add.f32.msk $0xffff, v4;
	(pc) =	sbr.rel @p0 .LBB2_11-.Ltmp4, $4  }
0xa1: {  	[tilespmem:s31+$0x40] =	vst.add.f32.msk $0xffff, v5  }
0xa2: {  	[tilespmem:s31+$0x50] =	vst.add.f32.msk $0xffff, v6  }
0xa3: {  	[tilespmem:s31+$0x0] =	vst.add.f32.msk $0xffff, v7  }
0xa4: {  	s30 =	sadd.s32 $0x400, s30;
	[tilespmem:s31+$0x60] =	vst.add.f32.msk $0xffff, v1  }
0xa5: {  	s25 =	sadd.s32 $0x1, s25  }
0xa6: {  	p0 =	sne.s32 s25, $0x10  }
.Ltmp5:
0xa7: {  	_ = 	snop;
	(pc) =	sbr.rel @p0 .LBB2_10-.Ltmp5, $2  }
0xa8: {  	_ =	sdelay $0x2  }
0xa9: {  	s24 =	sadd.s32 $0x1, s24;
	s23 =	sadd.s32 $0x400, s23  }
0xaa: {  	s23 =	simm.s32 $0x0  }
0xab: {  	[hbm4b:s10+s23] =	stream.linear.scatter [tilespmem:s17], [sflag:$0x6], $0x4000, $0x38;
	[tilespmem:$0x1C000] =	vst v63  }
0xac: {  	_ =	swait.ge [sflag:s16], $0x4000  }
0xad: {  	[sflag:s16] =	ssyncset.done $0x0  }
0xae: {  	s24 =	simm.s32 $0x0;
	s25 =	simm.s32 $0x0;
	[sflag:s16] =	ssyncadd.s32 $0xFFFFC000  }
.LBB2_14:
0xaf: {  	s26 =	sand.u32 $0x7, s24  }
0xb0: {  	s26 =	sshll.u32 s26, $0x9  }
0xb1: {  	s26 =	sshrl.u32 s26, $0x2  }
0xb2: {  	v0 =	vmov s26;
	_ =	sdelay $0x3  }
0xb3: {  	s30 =	sand.u32 $0x3FFFE000, s23  }
0xb4: {  	v1 =	vld.idx.msk [tilespmem:v0+s30+$0xC070 ss:$0x1], $0xffff  }
0xb5: {  	v2 =	vld.idx.msk [tilespmem:v0+s30+$0xC010 ss:$0x1], $0xffff  }
0xb6: {  	v3 =	vld.idx.msk [tilespmem:v0+s30+$0xC020 ss:$0x1], $0xffff  }
0xb7: {  	v4 =	vld.idx.msk [tilespmem:v0+s30+$0xC030 ss:$0x1], $0xffff  }
0xb8: {  	v5 =	vld.idx.msk [tilespmem:v0+s30+$0xC040 ss:$0x1], $0xffff  }
0xb9: {  	s28 =	sadd.s32 $0x10000, s30;
	v6 =	vld.idx.msk [tilespmem:v0+s30+$0xC050 ss:$0x1], $0xffff  }
0xba: {  	s31 =	sadd.s32 s26, s28;
	v7 =	vld.idx.msk [tilespmem:v0+s30+$0xC000 ss:$0x1], $0xffff  }
0xbb: {  	[tilespmem:s31+$0x70] =	vst.add.f32.msk $0xffff, v1  }
0xbc: {  	v1 =	vld.idx.msk [tilespmem:v0+s30+$0xC060 ss:$0x1], $0xffff  }
0xbd: {  	[tilespmem:s31+$0x10] =	vst.add.f32.msk $0xffff, v2  }
0xbe: {  	[tilespmem:s31+$0x20] =	vst.add.f32.msk $0xffff, v3  }
0xbf: {  	[tilespmem:s31+$0x30] =	vst.add.f32.msk $0xffff, v4  }
0xc0: {  	[tilespmem:s31+$0x40] =	vst.add.f32.msk $0xffff, v5  }
0xc1: {  	[tilespmem:s31+$0x50] =	vst.add.f32.msk $0xffff, v6  }
0xc2: {  	[tilespmem:s31+$0x0] =	vst.add.f32.msk $0xffff, v7  }
0xc3: {  	s29 =	simm.s32 $0x0;
	s30 =	sadd.s32 $0x400, s30;
	[tilespmem:s31+$0x60] =	vst.add.f32.msk $0xffff, v1  }
.LBB2_15:
0xc4: {  	v1 =	vld.idx.msk [tilespmem:v0+s30+$0xC070 ss:$0x1], $0xffff;
	s29 =	sadd.s32 $0x8, s29  }
0xc5: {  	v2 =	vld.idx.msk [tilespmem:v0+s30+$0xC010 ss:$0x1], $0xffff;
	p0 =	slt.u32 s29, $0x38  }
0xc6: {  	v3 =	vld.idx.msk [tilespmem:v0+s30+$0xC020 ss:$0x1], $0xffff  }
0xc7: {  	v4 =	vld.idx.msk [tilespmem:v0+s30+$0xC030 ss:$0x1], $0xffff  }
0xc8: {  	s28 =	sadd.s32 $0x400, s28;
	v5 =	vld.idx.msk [tilespmem:v0+s30+$0xC040 ss:$0x1], $0xffff  }
0xc9: {  	s31 =	sadd.s32 s26, s28;
	v6 =	vld.idx.msk [tilespmem:v0+s30+$0xC050 ss:$0x1], $0xffff  }
0xca: {  	[tilespmem:s31+$0x70] =	vst.add.f32.msk $0xffff, v1  }
0xcb: {  	v1 =	vld.idx.msk [tilespmem:v0+s30+$0xC060 ss:$0x1], $0xffff  }
0xcc: {  	v7 =	vld.idx.msk [tilespmem:v0+s30+$0xC000 ss:$0x1], $0xffff  }
0xcd: {  	[tilespmem:s31+$0x10] =	vst.add.f32.msk $0xffff, v2  }
0xce: {  	[tilespmem:s31+$0x20] =	vst.add.f32.msk $0xffff, v3  }
.Ltmp6:
0xcf: {  	[tilespmem:s31+$0x30] =	vst.add.f32.msk $0xffff, v4;
	(pc) =	sbr.rel @p0 .LBB2_15-.Ltmp6, $4  }
0xd0: {  	[tilespmem:s31+$0x40] =	vst.add.f32.msk $0xffff, v5  }
0xd1: {  	[tilespmem:s31+$0x50] =	vst.add.f32.msk $0xffff, v6  }
0xd2: {  	[tilespmem:s31+$0x0] =	vst.add.f32.msk $0xffff, v7  }
0xd3: {  	s30 =	sadd.s32 $0x400, s30;
	[tilespmem:s31+$0x60] =	vst.add.f32.msk $0xffff, v1  }
0xd4: {  	s25 =	sadd.s32 $0x1, s25  }
0xd5: {  	p0 =	sne.s32 s25, $0x10  }
.Ltmp7:
0xd6: {  	_ = 	snop;
	(pc) =	sbr.rel @p0 .LBB2_14-.Ltmp7, $2  }
0xd7: {  	_ =	sdelay $0x2  }
0xd8: {  	s24 =	sadd.s32 $0x1, s24;
	s23 =	sadd.s32 $0x400, s23  }
0xd9: {  	[hbm4b:s11+s2] =	stream.linear.scatter [tilespmem:s13], [sflag:$0x4], $0x4000, $0x38;
	[tilespmem:$0x1C000] =	vst v63  }
0xda: {  	s22 =	sadd.s32 $0x1, s22  }
0xdb: {  	_ =	swait.ge [sflag:s21], $0x4000;
	p0 =	sne.s32 s22, s12  }
.Ltmp8:
0xdc: {  	[sflag:s21] =	ssyncset.done $0x0;
	(pc) =	sbr.rel @p0 .LBB2_1-.Ltmp8, $4  }
0xdd: {  	[sflag:s21] =	ssyncadd.s32 $0xFFFFC000  }
0xde: {  	_ =	swait.ge [sflag:s19], $0x4000  }
0xdf: {  	[sflag:s19] =	ssyncset.done $0x0  }
0xe0: {  	[sflag:s19] =	ssyncadd.s32 $0xFFFFC000  }
0xe1: {  	_ =	sfence.sel $0x180000  }
0xe2: {  	[bflag:$0x0] =	sbarrier.arrive $0xFFFF  }
0xe3: {  	p0 =	sne.s32 s1, $0x0;
	_ =	strace $0x90000047  }
0xe4: {  	s0 =	sadd.s32 @!p0 $0x100000, s0;
	[bflag:$0x2] =	sbarrier.arrive $0xFFFF  }
0xe5: {  	[sflag:s0] =	ssyncadd.tile.s32 @!p0 $0x1;
	_ =	shalt  }
.Lfunc_end2:
_tile_overlayer_lowered:
.L_overlay_start_2:
0xe6: {  	(tag) =	ssettag $0x2  }
0xe7: {  	s0 =	rddreg [dreg:$0x0];
	s2 =	stileid.u32  }
0xe8: {  	s1 =	rddreg [dreg:$0x1];
	p0 =	sne.s32 s2, $0x0  }
0xe9: {  	s3 =	rddreg [dreg:$0x2];
	[bflag:$0x3] =	sbarrier.arrive $0xFFFF;
	s2 =	simm.s32 @!p0 $0x1C08  }
0xea: {  	[timem:s3], [sflag:s2] =	dma.local @!p0 [hbm:s0], s1  }
0xeb: {  	s0 =	simm.s32 @!p0 $0x8  }
0xec: {  	_ =	swait.ge @!p0 [sflag:s0], s1  }
0xed: {  	s1 =	ssub.s32 @!p0 $0x0, s1;
	[sflag:s0] =	ssyncset.done @!p0 $0x0  }
0xee: {  	[sflag:s0] =	ssyncadd.s32 @!p0 s1  }
0xef: {  	[bflag:$0x3] =	sbarrier.arrive $0xFFFF  }
0xf0: {  	_ =	shalt  }

</sc_bundles>
